<compile_context>
chip_gen: v7x
topology: tpu7x:2x2x1
jax: 0.10.2.dev20260603
libtpu: 0.0.44.dev20260713+nightly
codegen_flags: <defaults>
</compile_context>

<pallas_src>
import jax
import jax.numpy as jnp
from jax import lax
from jax.experimental import pallas as pl
from jax.experimental.pallas import tpu as pltpu
from jax.experimental.pallas import tpu_sc as plsc

NC, NS = 2, 16
NW = NC * NS
CHUNK = 128
NBUF = 7
GAHEAD = 6


def _make_plane_gather(batch: int, hist: int, dim: int):
    steps = hist

    pre = min(8, hist) if hist > 8 else hist

    def body(table_hbm, idst_hbm, out_hbm, idx_v, rows_v, gsem, isem, osem):
        wid = lax.axis_index("s") * NC + lax.axis_index("c")
        base = wid * CHUNK

        pltpu.sync_copy(
            idst_hbm.at[pl.ds(0, pre), pl.ds(base, CHUNK)],
            idx_v.at[pl.ds(0, pre)],
        )

        def rest_copy():
            return pltpu.make_async_copy(
                idst_hbm.at[pl.ds(pre, hist - pre), pl.ds(base, CHUNK)],
                idx_v.at[pl.ds(pre, hist - pre)],
                isem,
            )

        def gather(i, buf):
            return pltpu.make_async_copy(
                table_hbm.at[idx_v.at[i]], rows_v.at[buf], gsem.at[i % 2]
            )

        def store(i, buf):
            return pltpu.make_async_copy(
                rows_v.at[buf], out_hbm.at[i, pl.ds(base, CHUNK)], osem
            )

        for j in range(min(GAHEAD, steps, pre)):
            gather(j, j % NBUF).start()
        if hist > pre:
            rest_copy().start()

        @pl.loop(0, steps)
        def _(i):
            if hist > pre:
                @pl.when(i == 0)
                def _():
                    rest_copy().wait()

            j = i + GAHEAD
            jb = lax.rem(j, NBUF)

            @pl.when(jnp.logical_and(j >= NBUF, j < steps))
            def _():
                store(j - NBUF, jb).wait()

            @pl.when(j < steps)
            def _():
                gather(j, jb).start()

            ib = lax.rem(i, NBUF)
            gather(i, ib).wait()
            store(i, ib).start()

        for k in range(max(steps - NBUF, 0), steps):
            store(k, k % NBUF).wait()

    return pl.kernel(
        body,
        out_type=jax.ShapeDtypeStruct((hist, batch, dim), jnp.float32),
        mesh=plsc.VectorSubcoreMesh(core_axis_name="c", subcore_axis_name="s"),
        scratch_types=[
            pltpu.VMEM((hist, CHUNK), jnp.int32),
            pltpu.VMEM((NBUF, CHUNK, dim), jnp.float32),
            pltpu.SemaphoreType.DMA((2,)),
            pltpu.SemaphoreType.DMA,
            pltpu.SemaphoreType.DMA,
        ],
    )


F_NBUF = 5
F_GAHEAD = 3


def _make_flat_gather(total: int, dim: int):
    ids_per_w = total // NW
    nchunk = ids_per_w // CHUNK
    nouter = nchunk // F_NBUF

    def body(table_hbm, idx_hbm, out_hbm, idx_v, rows_v, gsem, osem):
        wid = lax.axis_index("s") * NC + lax.axis_index("c")
        base = wid * ids_per_w

        def out_at(ci):
            return out_hbm.at[pl.ds(base + ci * CHUNK, CHUNK)]

        pltpu.sync_copy(idx_hbm.at[pl.ds(base, ids_per_w)], idx_v)

        def idx_at(ci):
            return idx_v.at[pl.ds(ci * CHUNK, CHUNK)]

        def start_gather(ci, buf):
            pltpu.async_copy(table_hbm.at[idx_at(ci)], rows_v.at[buf], gsem)

        for b in range(F_GAHEAD):
            start_gather(b, b)

        @pl.loop(0, nouter)
        def _(gi):
            for b in range(F_NBUF):
                ci = gi * F_NBUF + b
                nb = (b + F_GAHEAD) % F_NBUF

                def wait_store(pci=ci + F_GAHEAD - F_NBUF, pb=nb):
                    pltpu.make_async_copy(rows_v.at[pb], out_at(pci), osem).wait()

                if b < F_NBUF - F_GAHEAD:
                    @pl.when(gi > 0)
                    def _():
                        wait_store()
                else:
                    wait_store()

                if b < F_NBUF - F_GAHEAD:
                    start_gather(ci + F_GAHEAD, nb)
                else:
                    @pl.when(gi < nouter - 1)
                    def _():
                        start_gather(ci + F_GAHEAD, nb)

                pltpu.make_async_copy(
                    table_hbm.at[idx_at(ci)], rows_v.at[b], gsem
                ).wait()
                pltpu.async_copy(rows_v.at[b], out_at(ci), osem)

        for b in range(F_GAHEAD, F_NBUF):
            ci = (nouter - 1) * F_NBUF + b
            pltpu.make_async_copy(rows_v.at[b], out_at(ci), osem).wait()

    return pl.kernel(
        body,
        out_type=jax.ShapeDtypeStruct((total, dim), jnp.float32),
        mesh=plsc.VectorSubcoreMesh(core_axis_name="c", subcore_axis_name="s"),
        scratch_types=[
            pltpu.VMEM((ids_per_w,), jnp.int32),
            pltpu.VMEM((F_NBUF, CHUNK, dim), jnp.float32),
            pltpu.SemaphoreType.DMA,
            pltpu.SemaphoreType.DMA,
        ],
    )


def kernel(annotations, ids):
    batch, hist = ids.shape
    vocab, dim = annotations.shape
    ids = ids.astype(jnp.int32)

    if batch % (NW * CHUNK) == 0:
        ids_t = jnp.transpose(ids)
        out_t = _make_plane_gather(batch, hist, dim)(annotations, ids_t)
        return jnp.transpose(out_t, (1, 0, 2))

    total = batch * hist
    flat = ids.reshape(total)
    grain = NW * CHUNK * F_NBUF
    padded = (total + grain - 1) // grain * grain
    if padded != total:
        flat = jnp.pad(flat, (0, padded - total))
    out = _make_flat_gather(padded, dim)(annotations, flat)
    return out[:total].reshape(batch, hist, dim)

# --- scband reference (transcript-rebuilt; emitter-appended) ---
"""Pipeline reference for scband-estimator-33741263077623 (READ-ONLY COPY).

The authoritative reference and input builder live on the scoring server;
editing this copy changes nothing except your own understanding.
"""

import jax, jax.numpy as jnp
import numpy as np

VOCAB = 100000
EMBED_DIM = 128
BATCH = 4096
HIST = 50

def setup_inputs(seed: int = 0) -> dict:
    key = jax.random.key(seed)
    k1, k2 = jax.random.split(key)
    # predefined_annotations: learned parameter (logits). Use randn so values are NOT all in [0,1],
    # matching the torch constructor path that skips inverse_sigmoid preprocessing.
    annotations = jax.random.normal(k1, (VOCAB, EMBED_DIM), dtype=jnp.float32)
    ids = jax.random.randint(k2, (BATCH, HIST), 0, VOCAB, dtype=jnp.int64 if jax.config.jax_enable_x64 else jnp.int32)
    return {"annotations": annotations, "ids": ids}

def reference(annotations, ids):
    # Estimator.forward: return self.annotations[ids]
    return jnp.take(annotations, ids, axis=0)

if __name__ == "__main__":
    import jax
    _d = setup_inputs()
    print(jax.jit(kernel)(*tuple(_d.values())))

</pallas_src>

<mosaic_0001>
#map = affine_map<(d0, d1) -> (0, 0)>
#map1 = affine_map<(d0, d1) -> (0, 0, 0)>
module attributes {stable_mosaic.version = 14 : i64} {
  func.func @body(%arg0: i32, %arg1: i32, %arg2: memref<100000x128xf32, #tpu.memory_space<hbm>>, %arg3: memref<50x4096xi32, #tpu.memory_space<hbm>>, %arg4: memref<50x4096x128xf32, #tpu.memory_space<hbm>>, %arg5: memref<50x128xi32, #tpu.memory_space<vmem>>, %arg6: memref<7x128x128xf32, #tpu.memory_space<vmem>>, %arg7: memref<2x!tpu.dma_semaphore, #tpu.memory_space<semaphore_mem>>, %arg8: memref<!tpu.dma_semaphore, #tpu.memory_space<semaphore_mem>>, %arg9: memref<!tpu.dma_semaphore, #tpu.memory_space<semaphore_mem>>) attributes {dimension_semantics = [#tpu.dimension_semantics<core_parallel>, #tpu.dimension_semantics<subcore_parallel>], iteration_bounds = array<i64: 2, 16>, scalar_prefetch = 0 : i64, scratch_operands = 5 : i64, tpu.core_type = #tpu.core_type<sc_vector_subcore>, window_params = [{transform_indices = #map}, {transform_indices = #map}, {transform_indices = #map1}]} {
    %mul3A = arith.constant 2 : i32
    %mul3A_0 = arith.muli %arg1, %mul3A : i32
    %add3A = arith.addi %mul3A_0, %arg0 : i32
    %mul3A_1 = arith.constant 128 : i32
    %mul3A_2 = arith.muli %add3A, %mul3A_1 : i32
    "tpu.region"() ({
      %run_scoped3A = tpu.sem_alloc : memref<!tpu.dma_semaphore, #tpu.memory_space<semaphore_mem>>
      %dma_start3A_217 = arith.constant 0 : i32
      %dma_start3A_218 = arith.constant 0 : i32
      %dma_start3A_219 = tpu.memref_slice %arg5[%dma_start3A_217, %dma_start3A_218] : memref<50x128xi32, #tpu.memory_space<vmem>> -> memref<8x128xi32, #tpu.memory_space<vmem>>
      %dma_start3A_220 = arith.constant 0 : i32
      %dma_start3A_221 = tpu.memref_slice %arg3[%dma_start3A_220, %mul3A_2] : memref<50x4096xi32, #tpu.memory_space<hbm>> -> memref<8x128xi32, #tpu.memory_space<hbm>>
      %dma_start3A_222 = arith.constant 0 : i32
      %dma_start3A_223 = arith.constant 0 : i32
      %dma_start3A_224 = tpu.memref_slice %arg5[%dma_start3A_222, %dma_start3A_223] : memref<50x128xi32, #tpu.memory_space<vmem>> -> memref<8x128xi32, #tpu.memory_space<vmem>>
      %dma_start3A_225 = arith.constant 0 : i32
      %dma_start3A_226 = tpu.memref_slice %arg3[%dma_start3A_225, %mul3A_2] : memref<50x4096xi32, #tpu.memory_space<hbm>> -> memref<8x128xi32, #tpu.memory_space<hbm>>
      tpu.enqueue_dma source(%dma_start3A_226 : memref<8x128xi32, #tpu.memory_space<hbm>>) target(%dma_start3A_224 : memref<8x128xi32, #tpu.memory_space<vmem>>) target_semaphore(%run_scoped3A : memref<!tpu.dma_semaphore, #tpu.memory_space<semaphore_mem>>)
      %dma_wait3A_227 = arith.constant 0 : i32
      %dma_wait3A_228 = arith.constant 0 : i32
      %dma_wait3A_229 = tpu.memref_slice %arg5[%dma_wait3A_227, %dma_wait3A_228] : memref<50x128xi32, #tpu.memory_space<vmem>> -> memref<8x128xi32, #tpu.memory_space<vmem>>
      %dma_wait3A_230 = arith.constant 0 : i32
      %dma_wait3A_231 = tpu.memref_slice %arg3[%dma_wait3A_230, %mul3A_2] : memref<50x4096xi32, #tpu.memory_space<hbm>> -> memref<8x128xi32, #tpu.memory_space<hbm>>
      %dma_wait3A_232 = arith.constant 0 : i32
      %dma_wait3A_233 = arith.constant 0 : i32
      %dma_wait3A_234 = tpu.memref_slice %arg5[%dma_wait3A_232, %dma_wait3A_233] : memref<50x128xi32, #tpu.memory_space<vmem>> -> memref<8x128xi32, #tpu.memory_space<vmem>>
      %dma_wait3A_235 = arith.constant 0 : i32
      %dma_wait3A_236 = tpu.memref_slice %arg3[%dma_wait3A_235, %mul3A_2] : memref<50x4096xi32, #tpu.memory_space<hbm>> -> memref<8x128xi32, #tpu.memory_space<hbm>>
      tpu.wait_dma2 semaphore(%run_scoped3A : memref<!tpu.dma_semaphore, #tpu.memory_space<semaphore_mem>>) src(%dma_wait3A_236 : memref<8x128xi32, #tpu.memory_space<hbm>>) dst(%dma_wait3A_234 : memref<8x128xi32, #tpu.memory_space<vmem>>)
      tpu.yield
    }) : () -> ()
    %dma_start3A = arith.constant 0 : i32
    %dma_start3A_3 = arith.constant 0 : i32
    %dma_start3A_4 = arith.constant 0 : i32
    %dma_start3A_5 = arith.constant 0 : i32
    %dma_start3A_6 = arith.constant 0 : i32
    %dma_start3A_7 = tpu.memref_slice %arg6[%dma_start3A_3, %dma_start3A_5, %dma_start3A_6] : memref<7x128x128xf32, #tpu.memory_space<vmem>> -> memref<1x128x128xf32, #tpu.memory_space<vmem>>
    %dma_start3A_8 = tpu.memref_squeeze %dma_start3A_7 : memref<1x128x128xf32, #tpu.memory_space<vmem>> -> memref<128x128xf32, #tpu.memory_space<vmem>>
    %dma_start3A_9 = arith.constant 0 : i32
    %dma_start3A_10 = tpu.memref_slice %arg5[%dma_start3A, %dma_start3A_9] : memref<50x128xi32, #tpu.memory_space<vmem>> -> memref<1x128xi32, #tpu.memory_space<vmem>>
    %dma_start3A_11 = tpu.memref_squeeze %dma_start3A_10 : memref<1x128xi32, #tpu.memory_space<vmem>> -> memref<128xi32, #tpu.memory_space<vmem>>
    %dma_start3A_12 = arith.constant 0 : i32
    %dma_start3A_13 = arith.constant 0 : i32
    %dma_start3A_14 = tpu.memref_slice %arg2[%dma_start3A_12, %dma_start3A_13] : memref<100000x128xf32, #tpu.memory_space<hbm>> -> memref<100000x128xf32, #tpu.memory_space<hbm>>
    %dma_start3A_15 = tpu.memref_slice %arg7[%dma_start3A_4] : memref<2x!tpu.dma_semaphore, #tpu.memory_space<semaphore_mem>> -> memref<1x!tpu.dma_semaphore, #tpu.memory_space<semaphore_mem>>
    %dma_start3A_16 = tpu.memref_squeeze %dma_start3A_15 : memref<1x!tpu.dma_semaphore, #tpu.memory_space<semaphore_mem>> -> memref<!tpu.dma_semaphore, #tpu.memory_space<semaphore_mem>>
    tpu.enqueue_indirect_dma source(%dma_start3A_14 : memref<100000x128xf32, #tpu.memory_space<hbm>>) target(%dma_start3A_8 : memref<128x128xf32, #tpu.memory_space<vmem>>) offsets(%dma_start3A_11 : memref<128xi32, #tpu.memory_space<vmem>>) semaphore(%dma_start3A_16 : memref<!tpu.dma_semaphore, #tpu.memory_space<semaphore_mem>>)
    %dma_start3A_17 = arith.constant 1 : i32
    %dma_start3A_18 = arith.constant 1 : i32
    %dma_start3A_19 = arith.constant 1 : i32
    %dma_start3A_20 = arith.constant 0 : i32
    %dma_start3A_21 = arith.constant 0 : i32
    %dma_start3A_22 = tpu.memref_slice %arg6[%dma_start3A_18, %dma_start3A_20, %dma_start3A_21] : memref<7x128x128xf32, #tpu.memory_space<vmem>> -> memref<1x128x128xf32, #tpu.memory_space<vmem>>
    %dma_start3A_23 = tpu.memref_squeeze %dma_start3A_22 : memref<1x128x128xf32, #tpu.memory_space<vmem>> -> memref<128x128xf32, #tpu.memory_space<vmem>>
    %dma_start3A_24 = arith.constant 0 : i32
    %dma_start3A_25 = tpu.memref_slice %arg5[%dma_start3A_17, %dma_start3A_24] : memref<50x128xi32, #tpu.memory_space<vmem>> -> memref<1x128xi32, #tpu.memory_space<vmem>>
    %dma_start3A_26 = tpu.memref_squeeze %dma_start3A_25 : memref<1x128xi32, #tpu.memory_space<vmem>> -> memref<128xi32, #tpu.memory_space<vmem>>
    %dma_start3A_27 = arith.constant 0 : i32
    %dma_start3A_28 = arith.constant 0 : i32
    %dma_start3A_29 = tpu.memref_slice %arg2[%dma_start3A_27, %dma_start3A_28] : memref<100000x128xf32, #tpu.memory_space<hbm>> -> memref<100000x128xf32, #tpu.memory_space<hbm>>
    %dma_start3A_30 = tpu.memref_slice %arg7[%dma_start3A_19] : memref<2x!tpu.dma_semaphore, #tpu.memory_space<semaphore_mem>> -> memref<1x!tpu.dma_semaphore, #tpu.memory_space<semaphore_mem>>
    %dma_start3A_31 = tpu.memref_squeeze %dma_start3A_30 : memref<1x!tpu.dma_semaphore, #tpu.memory_space<semaphore_mem>> -> memref<!tpu.dma_semaphore, #tpu.memory_space<semaphore_mem>>
    tpu.enqueue_indirect_dma source(%dma_start3A_29 : memref<100000x128xf32, #tpu.memory_space<hbm>>) target(%dma_start3A_23 : memref<128x128xf32, #tpu.memory_space<vmem>>) offsets(%dma_start3A_26 : memref<128xi32, #tpu.memory_space<vmem>>) semaphore(%dma_start3A_31 : memref<!tpu.dma_semaphore, #tpu.memory_space<semaphore_mem>>)
    %dma_start3A_32 = arith.constant 2 : i32
    %dma_start3A_33 = arith.constant 2 : i32
    %dma_start3A_34 = arith.constant 0 : i32
    %dma_start3A_35 = arith.constant 0 : i32
    %dma_start3A_36 = arith.constant 0 : i32
    %dma_start3A_37 = tpu.memref_slice %arg6[%dma_start3A_33, %dma_start3A_35, %dma_start3A_36] : memref<7x128x128xf32, #tpu.memory_space<vmem>> -> memref<1x128x128xf32, #tpu.memory_space<vmem>>
    %dma_start3A_38 = tpu.memref_squeeze %dma_start3A_37 : memref<1x128x128xf32, #tpu.memory_space<vmem>> -> memref<128x128xf32, #tpu.memory_space<vmem>>
    %dma_start3A_39 = arith.constant 0 : i32
    %dma_start3A_40 = tpu.memref_slice %arg5[%dma_start3A_32, %dma_start3A_39] : memref<50x128xi32, #tpu.memory_space<vmem>> -> memref<1x128xi32, #tpu.memory_space<vmem>>
    %dma_start3A_41 = tpu.memref_squeeze %dma_start3A_40 : memref<1x128xi32, #tpu.memory_space<vmem>> -> memref<128xi32, #tpu.memory_space<vmem>>
    %dma_start3A_42 = arith.constant 0 : i32
    %dma_start3A_43 = arith.constant 0 : i32
    %dma_start3A_44 = tpu.memref_slice %arg2[%dma_start3A_42, %dma_start3A_43] : memref<100000x128xf32, #tpu.memory_space<hbm>> -> memref<100000x128xf32, #tpu.memory_space<hbm>>
    %dma_start3A_45 = tpu.memref_slice %arg7[%dma_start3A_34] : memref<2x!tpu.dma_semaphore, #tpu.memory_space<semaphore_mem>> -> memref<1x!tpu.dma_semaphore, #tpu.memory_space<semaphore_mem>>
    %dma_start3A_46 = tpu.memref_squeeze %dma_start3A_45 : memref<1x!tpu.dma_semaphore, #tpu.memory_space<semaphore_mem>> -> memref<!tpu.dma_semaphore, #tpu.memory_space<semaphore_mem>>
    tpu.enqueue_indirect_dma source(%dma_start3A_44 : memref<100000x128xf32, #tpu.memory_space<hbm>>) target(%dma_start3A_38 : memref<128x128xf32, #tpu.memory_space<vmem>>) offsets(%dma_start3A_41 : memref<128xi32, #tpu.memory_space<vmem>>) semaphore(%dma_start3A_46 : memref<!tpu.dma_semaphore, #tpu.memory_space<semaphore_mem>>)
    %dma_start3A_47 = arith.constant 3 : i32
    %dma_start3A_48 = arith.constant 3 : i32
    %dma_start3A_49 = arith.constant 1 : i32
    %dma_start3A_50 = arith.constant 0 : i32
    %dma_start3A_51 = arith.constant 0 : i32
    %dma_start3A_52 = tpu.memref_slice %arg6[%dma_start3A_48, %dma_start3A_50, %dma_start3A_51] : memref<7x128x128xf32, #tpu.memory_space<vmem>> -> memref<1x128x128xf32, #tpu.memory_space<vmem>>
    %dma_start3A_53 = tpu.memref_squeeze %dma_start3A_52 : memref<1x128x128xf32, #tpu.memory_space<vmem>> -> memref<128x128xf32, #tpu.memory_space<vmem>>
    %dma_start3A_54 = arith.constant 0 : i32
    %dma_start3A_55 = tpu.memref_slice %arg5[%dma_start3A_47, %dma_start3A_54] : memref<50x128xi32, #tpu.memory_space<vmem>> -> memref<1x128xi32, #tpu.memory_space<vmem>>
    %dma_start3A_56 = tpu.memref_squeeze %dma_start3A_55 : memref<1x128xi32, #tpu.memory_space<vmem>> -> memref<128xi32, #tpu.memory_space<vmem>>
    %dma_start3A_57 = arith.constant 0 : i32
    %dma_start3A_58 = arith.constant 0 : i32
    %dma_start3A_59 = tpu.memref_slice %arg2[%dma_start3A_57, %dma_start3A_58] : memref<100000x128xf32, #tpu.memory_space<hbm>> -> memref<100000x128xf32, #tpu.memory_space<hbm>>
    %dma_start3A_60 = tpu.memref_slice %arg7[%dma_start3A_49] : memref<2x!tpu.dma_semaphore, #tpu.memory_space<semaphore_mem>> -> memref<1x!tpu.dma_semaphore, #tpu.memory_space<semaphore_mem>>
    %dma_start3A_61 = tpu.memref_squeeze %dma_start3A_60 : memref<1x!tpu.dma_semaphore, #tpu.memory_space<semaphore_mem>> -> memref<!tpu.dma_semaphore, #tpu.memory_space<semaphore_mem>>
    tpu.enqueue_indirect_dma source(%dma_start3A_59 : memref<100000x128xf32, #tpu.memory_space<hbm>>) target(%dma_start3A_53 : memref<128x128xf32, #tpu.memory_space<vmem>>) offsets(%dma_start3A_56 : memref<128xi32, #tpu.memory_space<vmem>>) semaphore(%dma_start3A_61 : memref<!tpu.dma_semaphore, #tpu.memory_space<semaphore_mem>>)
    %dma_start3A_62 = arith.constant 4 : i32
    %dma_start3A_63 = arith.constant 4 : i32
    %dma_start3A_64 = arith.constant 0 : i32
    %dma_start3A_65 = arith.constant 0 : i32
    %dma_start3A_66 = arith.constant 0 : i32
    %dma_start3A_67 = tpu.memref_slice %arg6[%dma_start3A_63, %dma_start3A_65, %dma_start3A_66] : memref<7x128x128xf32, #tpu.memory_space<vmem>> -> memref<1x128x128xf32, #tpu.memory_space<vmem>>
    %dma_start3A_68 = tpu.memref_squeeze %dma_start3A_67 : memref<1x128x128xf32, #tpu.memory_space<vmem>> -> memref<128x128xf32, #tpu.memory_space<vmem>>
    %dma_start3A_69 = arith.constant 0 : i32
    %dma_start3A_70 = tpu.memref_slice %arg5[%dma_start3A_62, %dma_start3A_69] : memref<50x128xi32, #tpu.memory_space<vmem>> -> memref<1x128xi32, #tpu.memory_space<vmem>>
    %dma_start3A_71 = tpu.memref_squeeze %dma_start3A_70 : memref<1x128xi32, #tpu.memory_space<vmem>> -> memref<128xi32, #tpu.memory_space<vmem>>
    %dma_start3A_72 = arith.constant 0 : i32
    %dma_start3A_73 = arith.constant 0 : i32
    %dma_start3A_74 = tpu.memref_slice %arg2[%dma_start3A_72, %dma_start3A_73] : memref<100000x128xf32, #tpu.memory_space<hbm>> -> memref<100000x128xf32, #tpu.memory_space<hbm>>
    %dma_start3A_75 = tpu.memref_slice %arg7[%dma_start3A_64] : memref<2x!tpu.dma_semaphore, #tpu.memory_space<semaphore_mem>> -> memref<1x!tpu.dma_semaphore, #tpu.memory_space<semaphore_mem>>
    %dma_start3A_76 = tpu.memref_squeeze %dma_start3A_75 : memref<1x!tpu.dma_semaphore, #tpu.memory_space<semaphore_mem>> -> memref<!tpu.dma_semaphore, #tpu.memory_space<semaphore_mem>>
    tpu.enqueue_indirect_dma source(%dma_start3A_74 : memref<100000x128xf32, #tpu.memory_space<hbm>>) target(%dma_start3A_68 : memref<128x128xf32, #tpu.memory_space<vmem>>) offsets(%dma_start3A_71 : memref<128xi32, #tpu.memory_space<vmem>>) semaphore(%dma_start3A_76 : memref<!tpu.dma_semaphore, #tpu.memory_space<semaphore_mem>>)
    %dma_start3A_77 = arith.constant 5 : i32
    %dma_start3A_78 = arith.constant 5 : i32
    %dma_start3A_79 = arith.constant 1 : i32
    %dma_start3A_80 = arith.constant 0 : i32
    %dma_start3A_81 = arith.constant 0 : i32
    %dma_start3A_82 = tpu.memref_slice %arg6[%dma_start3A_78, %dma_start3A_80, %dma_start3A_81] : memref<7x128x128xf32, #tpu.memory_space<vmem>> -> memref<1x128x128xf32, #tpu.memory_space<vmem>>
    %dma_start3A_83 = tpu.memref_squeeze %dma_start3A_82 : memref<1x128x128xf32, #tpu.memory_space<vmem>> -> memref<128x128xf32, #tpu.memory_space<vmem>>
    %dma_start3A_84 = arith.constant 0 : i32
    %dma_start3A_85 = tpu.memref_slice %arg5[%dma_start3A_77, %dma_start3A_84] : memref<50x128xi32, #tpu.memory_space<vmem>> -> memref<1x128xi32, #tpu.memory_space<vmem>>
    %dma_start3A_86 = tpu.memref_squeeze %dma_start3A_85 : memref<1x128xi32, #tpu.memory_space<vmem>> -> memref<128xi32, #tpu.memory_space<vmem>>
    %dma_start3A_87 = arith.constant 0 : i32
    %dma_start3A_88 = arith.constant 0 : i32
    %dma_start3A_89 = tpu.memref_slice %arg2[%dma_start3A_87, %dma_start3A_88] : memref<100000x128xf32, #tpu.memory_space<hbm>> -> memref<100000x128xf32, #tpu.memory_space<hbm>>
    %dma_start3A_90 = tpu.memref_slice %arg7[%dma_start3A_79] : memref<2x!tpu.dma_semaphore, #tpu.memory_space<semaphore_mem>> -> memref<1x!tpu.dma_semaphore, #tpu.memory_space<semaphore_mem>>
    %dma_start3A_91 = tpu.memref_squeeze %dma_start3A_90 : memref<1x!tpu.dma_semaphore, #tpu.memory_space<semaphore_mem>> -> memref<!tpu.dma_semaphore, #tpu.memory_space<semaphore_mem>>
    tpu.enqueue_indirect_dma source(%dma_start3A_89 : memref<100000x128xf32, #tpu.memory_space<hbm>>) target(%dma_start3A_83 : memref<128x128xf32, #tpu.memory_space<vmem>>) offsets(%dma_start3A_86 : memref<128xi32, #tpu.memory_space<vmem>>) semaphore(%dma_start3A_91 : memref<!tpu.dma_semaphore, #tpu.memory_space<semaphore_mem>>)
    %dma_start3A_92 = arith.constant 8 : i32
    %dma_start3A_93 = arith.constant 0 : i32
    %dma_start3A_94 = tpu.memref_slice %arg5[%dma_start3A_92, %dma_start3A_93] : memref<50x128xi32, #tpu.memory_space<vmem>> -> memref<42x128xi32, #tpu.memory_space<vmem>>
    %dma_start3A_95 = arith.constant 8 : i32
    %dma_start3A_96 = tpu.memref_slice %arg3[%dma_start3A_95, %mul3A_2] : memref<50x4096xi32, #tpu.memory_space<hbm>> -> memref<42x128xi32, #tpu.memory_space<hbm>>
    %dma_start3A_97 = arith.constant 8 : i32
    %dma_start3A_98 = arith.constant 0 : i32
    %dma_start3A_99 = tpu.memref_slice %arg5[%dma_start3A_97, %dma_start3A_98] : memref<50x128xi32, #tpu.memory_space<vmem>> -> memref<42x128xi32, #tpu.memory_space<vmem>>
    %dma_start3A_100 = arith.constant 8 : i32
    %dma_start3A_101 = tpu.memref_slice %arg3[%dma_start3A_100, %mul3A_2] : memref<50x4096xi32, #tpu.memory_space<hbm>> -> memref<42x128xi32, #tpu.memory_space<hbm>>
    tpu.enqueue_dma source(%dma_start3A_101 : memref<42x128xi32, #tpu.memory_space<hbm>>) target(%dma_start3A_99 : memref<42x128xi32, #tpu.memory_space<vmem>>) target_semaphore(%arg8 : memref<!tpu.dma_semaphore, #tpu.memory_space<semaphore_mem>>)
    %scan3A = arith.constant 0 : i32
    %scan3A_102 = arith.constant 50 : i32
    %scan3A_103 = arith.addi %scan3A, %scan3A_102 : i32
    %scan3A_104 = arith.constant 1 : i32
    scf.for %scan3A_217 = %scan3A to %scan3A_103 step %scan3A_104  : i32 {
      %mul3A_218 = arith.constant 1 : i32
      %mul3A_219 = arith.muli %scan3A_217, %mul3A_218 : i32
      %add3A_220 = arith.constant 0 : i32
      %add3A_221 = arith.addi %add3A_220, %mul3A_219 : i32
      %eq3A = arith.constant 0 : i32
      %eq3A_222 = arith.cmpi eq, %add3A_221, %eq3A : i32
      %convert_element_type3A = arith.extui %eq3A_222 : i1 to i32
      %cond3A = arith.constant 0 : i32
      %cond3A_223 = arith.cmpi ne, %convert_element_type3A, %cond3A : i32
      scf.if %cond3A_223 {
        %dma_wait3A_278 = arith.constant 8 : i32
        %dma_wait3A_279 = arith.constant 0 : i32
        %dma_wait3A_280 = tpu.memref_slice %arg5[%dma_wait3A_278, %dma_wait3A_279] : memref<50x128xi32, #tpu.memory_space<vmem>> -> memref<42x128xi32, #tpu.memory_space<vmem>>
        %dma_wait3A_281 = arith.constant 8 : i32
        %dma_wait3A_282 = tpu.memref_slice %arg3[%dma_wait3A_281, %mul3A_2] : memref<50x4096xi32, #tpu.memory_space<hbm>> -> memref<42x128xi32, #tpu.memory_space<hbm>>
        %dma_wait3A_283 = arith.constant 8 : i32
        %dma_wait3A_284 = arith.constant 0 : i32
        %dma_wait3A_285 = tpu.memref_slice %arg5[%dma_wait3A_283, %dma_wait3A_284] : memref<50x128xi32, #tpu.memory_space<vmem>> -> memref<42x128xi32, #tpu.memory_space<vmem>>
        %dma_wait3A_286 = arith.constant 8 : i32
        %dma_wait3A_287 = tpu.memref_slice %arg3[%dma_wait3A_286, %mul3A_2] : memref<50x4096xi32, #tpu.memory_space<hbm>> -> memref<42x128xi32, #tpu.memory_space<hbm>>
        tpu.wait_dma2 semaphore(%arg8 : memref<!tpu.dma_semaphore, #tpu.memory_space<semaphore_mem>>) src(%dma_wait3A_287 : memref<42x128xi32, #tpu.memory_space<hbm>>) dst(%dma_wait3A_285 : memref<42x128xi32, #tpu.memory_space<vmem>>)
      } else {
      }
      %add3A_224 = arith.constant 6 : i32
      %add3A_225 = arith.addi %add3A_221, %add3A_224 : i32
      %rem3A = arith.constant 7 : i32
      %rem3A_226 = arith.remsi %add3A_225, %rem3A : i32
      %ge3A = arith.constant 7 : i32
      %ge3A_227 = arith.cmpi sge, %add3A_225, %ge3A : i32
      %lt3A = arith.constant 50 : i32
      %lt3A_228 = arith.cmpi slt, %add3A_225, %lt3A : i32
      %and3A = arith.andi %ge3A_227, %lt3A_228 : i1
      %convert_element_type3A_229 = arith.extui %and3A : i1 to i32
      %cond3A_230 = arith.constant 0 : i32
      %cond3A_231 = arith.cmpi ne, %convert_element_type3A_229, %cond3A_230 : i32
      scf.if %cond3A_231 {
        %sub3A = arith.constant 7 : i32
        %sub3A_278 = arith.subi %add3A_225, %sub3A : i32
        %dma_wait3A_279 = arith.constant 0 : i32
        %dma_wait3A_280 = arith.constant 0 : i32
        %dma_wait3A_281 = tpu.memref_slice %arg6[%rem3A_226, %dma_wait3A_279, %dma_wait3A_280] : memref<7x128x128xf32, #tpu.memory_space<vmem>> -> memref<1x128x128xf32, #tpu.memory_space<vmem>>
        %dma_wait3A_282 = tpu.memref_squeeze %dma_wait3A_281 : memref<1x128x128xf32, #tpu.memory_space<vmem>> -> memref<128x128xf32, #tpu.memory_space<vmem>>
        %dma_wait3A_283 = arith.constant 0 : i32
        %dma_wait3A_284 = tpu.memref_slice %arg4[%sub3A_278, %mul3A_2, %dma_wait3A_283] : memref<50x4096x128xf32, #tpu.memory_space<hbm>> -> memref<1x128x128xf32, #tpu.memory_space<hbm>>
        %dma_wait3A_285 = tpu.memref_squeeze %dma_wait3A_284 : memref<1x128x128xf32, #tpu.memory_space<hbm>> -> memref<128x128xf32, #tpu.memory_space<hbm>>
        %dma_wait3A_286 = arith.constant 0 : i32
        %dma_wait3A_287 = tpu.memref_slice %arg4[%sub3A_278, %mul3A_2, %dma_wait3A_286] : memref<50x4096x128xf32, #tpu.memory_space<hbm>> -> memref<1x128x128xf32, #tpu.memory_space<hbm>>
        %dma_wait3A_288 = tpu.memref_squeeze %dma_wait3A_287 : memref<1x128x128xf32, #tpu.memory_space<hbm>> -> memref<128x128xf32, #tpu.memory_space<hbm>>
        %dma_wait3A_289 = arith.constant 0 : i32
        %dma_wait3A_290 = arith.constant 0 : i32
        %dma_wait3A_291 = tpu.memref_slice %arg6[%rem3A_226, %dma_wait3A_289, %dma_wait3A_290] : memref<7x128x128xf32, #tpu.memory_space<vmem>> -> memref<1x128x128xf32, #tpu.memory_space<vmem>>
        %dma_wait3A_292 = tpu.memref_squeeze %dma_wait3A_291 : memref<1x128x128xf32, #tpu.memory_space<vmem>> -> memref<128x128xf32, #tpu.memory_space<vmem>>
        tpu.wait_dma2 semaphore(%arg9 : memref<!tpu.dma_semaphore, #tpu.memory_space<semaphore_mem>>) src(%dma_wait3A_292 : memref<128x128xf32, #tpu.memory_space<vmem>>) dst(%dma_wait3A_288 : memref<128x128xf32, #tpu.memory_space<hbm>>)
      } else {
      }
      %lt3A_232 = arith.constant 50 : i32
      %lt3A_233 = arith.cmpi slt, %add3A_225, %lt3A_232 : i32
      %convert_element_type3A_234 = arith.extui %lt3A_233 : i1 to i32
      %cond3A_235 = arith.constant 0 : i32
      %cond3A_236 = arith.cmpi ne, %convert_element_type3A_234, %cond3A_235 : i32
      scf.if %cond3A_236 {
        %jit3A_278 = arith.constant 2 : i32
        %eq3A_279 = arith.constant 0 : i32
        %eq3A_280 = arith.cmpi eq, %jit3A_278, %eq3A_279 : i32
        %jit3A_281 = arith.constant 1 : i32
        %select_n3A_282 = arith.select %eq3A_280, %jit3A_281, %jit3A_278 : i32
        %rem3A_283 = arith.remsi %add3A_225, %select_n3A_282 : i32
        %ne3A_284 = arith.constant 0 : i32
        %ne3A_285 = arith.cmpi ne, %rem3A_283, %ne3A_284 : i32
        %lt3A_286 = arith.constant 0 : i32
        %lt3A_287 = arith.cmpi slt, %rem3A_283, %lt3A_286 : i32
        %lt3A_288 = arith.constant 0 : i32
        %lt3A_289 = arith.cmpi slt, %select_n3A_282, %lt3A_288 : i32
        %ne3A_290 = arith.xori %lt3A_287, %lt3A_289 : i1
        %and3A_291 = arith.andi %ne3A_290, %ne3A_285 : i1
        %add3A_292 = arith.addi %rem3A_283, %select_n3A_282 : i32
        %select_n3A_293 = arith.select %and3A_291, %add3A_292, %rem3A_283 : i32
        %dma_start3A_294 = arith.constant 0 : i32
        %dma_start3A_295 = arith.constant 0 : i32
        %dma_start3A_296 = tpu.memref_slice %arg6[%rem3A_226, %dma_start3A_294, %dma_start3A_295] : memref<7x128x128xf32, #tpu.memory_space<vmem>> -> memref<1x128x128xf32, #tpu.memory_space<vmem>>
        %dma_start3A_297 = tpu.memref_squeeze %dma_start3A_296 : memref<1x128x128xf32, #tpu.memory_space<vmem>> -> memref<128x128xf32, #tpu.memory_space<vmem>>
        %dma_start3A_298 = arith.constant 0 : i32
        %dma_start3A_299 = tpu.memref_slice %arg5[%add3A_225, %dma_start3A_298] : memref<50x128xi32, #tpu.memory_space<vmem>> -> memref<1x128xi32, #tpu.memory_space<vmem>>
        %dma_start3A_300 = tpu.memref_squeeze %dma_start3A_299 : memref<1x128xi32, #tpu.memory_space<vmem>> -> memref<128xi32, #tpu.memory_space<vmem>>
        %dma_start3A_301 = arith.constant 0 : i32
        %dma_start3A_302 = arith.constant 0 : i32
        %dma_start3A_303 = tpu.memref_slice %arg2[%dma_start3A_301, %dma_start3A_302] : memref<100000x128xf32, #tpu.memory_space<hbm>> -> memref<100000x128xf32, #tpu.memory_space<hbm>>
        %dma_start3A_304 = tpu.memref_slice %arg7[%select_n3A_293] : memref<2x!tpu.dma_semaphore, #tpu.memory_space<semaphore_mem>> -> memref<1x!tpu.dma_semaphore, #tpu.memory_space<semaphore_mem>>
        %dma_start3A_305 = tpu.memref_squeeze %dma_start3A_304 : memref<1x!tpu.dma_semaphore, #tpu.memory_space<semaphore_mem>> -> memref<!tpu.dma_semaphore, #tpu.memory_space<semaphore_mem>>
        tpu.enqueue_indirect_dma source(%dma_start3A_303 : memref<100000x128xf32, #tpu.memory_space<hbm>>) target(%dma_start3A_297 : memref<128x128xf32, #tpu.memory_space<vmem>>) offsets(%dma_start3A_300 : memref<128xi32, #tpu.memory_space<vmem>>) semaphore(%dma_start3A_305 : memref<!tpu.dma_semaphore, #tpu.memory_space<semaphore_mem>>)
      } else {
      }
      %rem3A_237 = arith.constant 7 : i32
      %rem3A_238 = arith.remsi %add3A_221, %rem3A_237 : i32
      %jit3A = arith.constant 2 : i32
      %eq3A_239 = arith.constant 0 : i32
      %eq3A_240 = arith.cmpi eq, %jit3A, %eq3A_239 : i32
      %jit3A_241 = arith.constant 1 : i32
      %select_n3A = arith.select %eq3A_240, %jit3A_241, %jit3A : i32
      %rem3A_242 = arith.remsi %add3A_221, %select_n3A : i32
      %ne3A = arith.constant 0 : i32
      %ne3A_243 = arith.cmpi ne, %rem3A_242, %ne3A : i32
      %lt3A_244 = arith.constant 0 : i32
      %lt3A_245 = arith.cmpi slt, %rem3A_242, %lt3A_244 : i32
      %lt3A_246 = arith.constant 0 : i32
      %lt3A_247 = arith.cmpi slt, %select_n3A, %lt3A_246 : i32
      %ne3A_248 = arith.xori %lt3A_245, %lt3A_247 : i1
      %and3A_249 = arith.andi %ne3A_248, %ne3A_243 : i1
      %add3A_250 = arith.addi %rem3A_242, %select_n3A : i32
      %select_n3A_251 = arith.select %and3A_249, %add3A_250, %rem3A_242 : i32
      %dma_wait3A_252 = arith.constant 0 : i32
      %dma_wait3A_253 = arith.constant 0 : i32
      %dma_wait3A_254 = tpu.memref_slice %arg6[%rem3A_238, %dma_wait3A_252, %dma_wait3A_253] : memref<7x128x128xf32, #tpu.memory_space<vmem>> -> memref<1x128x128xf32, #tpu.memory_space<vmem>>
      %dma_wait3A_255 = tpu.memref_squeeze %dma_wait3A_254 : memref<1x128x128xf32, #tpu.memory_space<vmem>> -> memref<128x128xf32, #tpu.memory_space<vmem>>
      %dma_wait3A_256 = arith.constant 0 : i32
      %dma_wait3A_257 = tpu.memref_slice %arg5[%add3A_221, %dma_wait3A_256] : memref<50x128xi32, #tpu.memory_space<vmem>> -> memref<1x128xi32, #tpu.memory_space<vmem>>
      %dma_wait3A_258 = tpu.memref_squeeze %dma_wait3A_257 : memref<1x128xi32, #tpu.memory_space<vmem>> -> memref<128xi32, #tpu.memory_space<vmem>>
      %dma_wait3A_259 = arith.constant 0 : i32
      %dma_wait3A_260 = arith.constant 0 : i32
      %dma_wait3A_261 = tpu.memref_slice %arg2[%dma_wait3A_259, %dma_wait3A_260] : memref<100000x128xf32, #tpu.memory_space<hbm>> -> memref<100000x128xf32, #tpu.memory_space<hbm>>
      %dma_wait3A_262 = tpu.memref_slice %arg7[%select_n3A_251] : memref<2x!tpu.dma_semaphore, #tpu.memory_space<semaphore_mem>> -> memref<1x!tpu.dma_semaphore, #tpu.memory_space<semaphore_mem>>
      %dma_wait3A_263 = tpu.memref_squeeze %dma_wait3A_262 : memref<1x!tpu.dma_semaphore, #tpu.memory_space<semaphore_mem>> -> memref<!tpu.dma_semaphore, #tpu.memory_space<semaphore_mem>>
      tpu.wait_indirect_dma semaphore(%dma_wait3A_263 : memref<!tpu.dma_semaphore, #tpu.memory_space<semaphore_mem>>) src(%dma_wait3A_261 : memref<100000x128xf32, #tpu.memory_space<hbm>>) dst(%dma_wait3A_255 : memref<128x128xf32, #tpu.memory_space<vmem>>)
      %dma_start3A_264 = arith.constant 0 : i32
      %dma_start3A_265 = arith.constant 0 : i32
      %dma_start3A_266 = tpu.memref_slice %arg6[%rem3A_238, %dma_start3A_264, %dma_start3A_265] : memref<7x128x128xf32, #tpu.memory_space<vmem>> -> memref<1x128x128xf32, #tpu.memory_space<vmem>>
      %dma_start3A_267 = tpu.memref_squeeze %dma_start3A_266 : memref<1x128x128xf32, #tpu.memory_space<vmem>> -> memref<128x128xf32, #tpu.memory_space<vmem>>
      %dma_start3A_268 = arith.constant 0 : i32
      %dma_start3A_269 = tpu.memref_slice %arg4[%add3A_221, %mul3A_2, %dma_start3A_268] : memref<50x4096x128xf32, #tpu.memory_space<hbm>> -> memref<1x128x128xf32, #tpu.memory_space<hbm>>
      %dma_start3A_270 = tpu.memref_squeeze %dma_start3A_269 : memref<1x128x128xf32, #tpu.memory_space<hbm>> -> memref<128x128xf32, #tpu.memory_space<hbm>>
      %dma_start3A_271 = arith.constant 0 : i32
      %dma_start3A_272 = tpu.memref_slice %arg4[%add3A_221, %mul3A_2, %dma_start3A_271] : memref<50x4096x128xf32, #tpu.memory_space<hbm>> -> memref<1x128x128xf32, #tpu.memory_space<hbm>>
      %dma_start3A_273 = tpu.memref_squeeze %dma_start3A_272 : memref<1x128x128xf32, #tpu.memory_space<hbm>> -> memref<128x128xf32, #tpu.memory_space<hbm>>
      %dma_start3A_274 = arith.constant 0 : i32
      %dma_start3A_275 = arith.constant 0 : i32
      %dma_start3A_276 = tpu.memref_slice %arg6[%rem3A_238, %dma_start3A_274, %dma_start3A_275] : memref<7x128x128xf32, #tpu.memory_space<vmem>> -> memref<1x128x128xf32, #tpu.memory_space<vmem>>
      %dma_start3A_277 = tpu.memref_squeeze %dma_start3A_276 : memref<1x128x128xf32, #tpu.memory_space<vmem>> -> memref<128x128xf32, #tpu.memory_space<vmem>>
      tpu.enqueue_dma source(%dma_start3A_277 : memref<128x128xf32, #tpu.memory_space<vmem>>) target(%dma_start3A_273 : memref<128x128xf32, #tpu.memory_space<hbm>>) target_semaphore(%arg9 : memref<!tpu.dma_semaphore, #tpu.memory_space<semaphore_mem>>)
    }
    %scan3A_105 = arith.constant 50 : i32
    %dma_wait3A = arith.constant 1 : i32
    %dma_wait3A_106 = arith.constant 43 : i32
    %dma_wait3A_107 = arith.constant 0 : i32
    %dma_wait3A_108 = arith.constant 0 : i32
    %dma_wait3A_109 = tpu.memref_slice %arg6[%dma_wait3A, %dma_wait3A_107, %dma_wait3A_108] : memref<7x128x128xf32, #tpu.memory_space<vmem>> -> memref<1x128x128xf32, #tpu.memory_space<vmem>>
    %dma_wait3A_110 = tpu.memref_squeeze %dma_wait3A_109 : memref<1x128x128xf32, #tpu.memory_space<vmem>> -> memref<128x128xf32, #tpu.memory_space<vmem>>
    %dma_wait3A_111 = arith.constant 0 : i32
    %dma_wait3A_112 = tpu.memref_slice %arg4[%dma_wait3A_106, %mul3A_2, %dma_wait3A_111] : memref<50x4096x128xf32, #tpu.memory_space<hbm>> -> memref<1x128x128xf32, #tpu.memory_space<hbm>>
    %dma_wait3A_113 = tpu.memref_squeeze %dma_wait3A_112 : memref<1x128x128xf32, #tpu.memory_space<hbm>> -> memref<128x128xf32, #tpu.memory_space<hbm>>
    %dma_wait3A_114 = arith.constant 0 : i32
    %dma_wait3A_115 = tpu.memref_slice %arg4[%dma_wait3A_106, %mul3A_2, %dma_wait3A_114] : memref<50x4096x128xf32, #tpu.memory_space<hbm>> -> memref<1x128x128xf32, #tpu.memory_space<hbm>>
    %dma_wait3A_116 = tpu.memref_squeeze %dma_wait3A_115 : memref<1x128x128xf32, #tpu.memory_space<hbm>> -> memref<128x128xf32, #tpu.memory_space<hbm>>
    %dma_wait3A_117 = arith.constant 0 : i32
    %dma_wait3A_118 = arith.constant 0 : i32
    %dma_wait3A_119 = tpu.memref_slice %arg6[%dma_wait3A, %dma_wait3A_117, %dma_wait3A_118] : memref<7x128x128xf32, #tpu.memory_space<vmem>> -> memref<1x128x128xf32, #tpu.memory_space<vmem>>
    %dma_wait3A_120 = tpu.memref_squeeze %dma_wait3A_119 : memref<1x128x128xf32, #tpu.memory_space<vmem>> -> memref<128x128xf32, #tpu.memory_space<vmem>>
    tpu.wait_dma2 semaphore(%arg9 : memref<!tpu.dma_semaphore, #tpu.memory_space<semaphore_mem>>) src(%dma_wait3A_120 : memref<128x128xf32, #tpu.memory_space<vmem>>) dst(%dma_wait3A_116 : memref<128x128xf32, #tpu.memory_space<hbm>>)
    %dma_wait3A_121 = arith.constant 2 : i32
    %dma_wait3A_122 = arith.constant 44 : i32
    %dma_wait3A_123 = arith.constant 0 : i32
    %dma_wait3A_124 = arith.constant 0 : i32
    %dma_wait3A_125 = tpu.memref_slice %arg6[%dma_wait3A_121, %dma_wait3A_123, %dma_wait3A_124] : memref<7x128x128xf32, #tpu.memory_space<vmem>> -> memref<1x128x128xf32, #tpu.memory_space<vmem>>
    %dma_wait3A_126 = tpu.memref_squeeze %dma_wait3A_125 : memref<1x128x128xf32, #tpu.memory_space<vmem>> -> memref<128x128xf32, #tpu.memory_space<vmem>>
    %dma_wait3A_127 = arith.constant 0 : i32
    %dma_wait3A_128 = tpu.memref_slice %arg4[%dma_wait3A_122, %mul3A_2, %dma_wait3A_127] : memref<50x4096x128xf32, #tpu.memory_space<hbm>> -> memref<1x128x128xf32, #tpu.memory_space<hbm>>
    %dma_wait3A_129 = tpu.memref_squeeze %dma_wait3A_128 : memref<1x128x128xf32, #tpu.memory_space<hbm>> -> memref<128x128xf32, #tpu.memory_space<hbm>>
    %dma_wait3A_130 = arith.constant 0 : i32
    %dma_wait3A_131 = tpu.memref_slice %arg4[%dma_wait3A_122, %mul3A_2, %dma_wait3A_130] : memref<50x4096x128xf32, #tpu.memory_space<hbm>> -> memref<1x128x128xf32, #tpu.memory_space<hbm>>
    %dma_wait3A_132 = tpu.memref_squeeze %dma_wait3A_131 : memref<1x128x128xf32, #tpu.memory_space<hbm>> -> memref<128x128xf32, #tpu.memory_space<hbm>>
    %dma_wait3A_133 = arith.constant 0 : i32
    %dma_wait3A_134 = arith.constant 0 : i32
    %dma_wait3A_135 = tpu.memref_slice %arg6[%dma_wait3A_121, %dma_wait3A_133, %dma_wait3A_134] : memref<7x128x128xf32, #tpu.memory_space<vmem>> -> memref<1x128x128xf32, #tpu.memory_space<vmem>>
    %dma_wait3A_136 = tpu.memref_squeeze %dma_wait3A_135 : memref<1x128x128xf32, #tpu.memory_space<vmem>> -> memref<128x128xf32, #tpu.memory_space<vmem>>
    tpu.wait_dma2 semaphore(%arg9 : memref<!tpu.dma_semaphore, #tpu.memory_space<semaphore_mem>>) src(%dma_wait3A_136 : memref<128x128xf32, #tpu.memory_space<vmem>>) dst(%dma_wait3A_132 : memref<128x128xf32, #tpu.memory_space<hbm>>)
    %dma_wait3A_137 = arith.constant 3 : i32
    %dma_wait3A_138 = arith.constant 45 : i32
    %dma_wait3A_139 = arith.constant 0 : i32
    %dma_wait3A_140 = arith.constant 0 : i32
    %dma_wait3A_141 = tpu.memref_slice %arg6[%dma_wait3A_137, %dma_wait3A_139, %dma_wait3A_140] : memref<7x128x128xf32, #tpu.memory_space<vmem>> -> memref<1x128x128xf32, #tpu.memory_space<vmem>>
    %dma_wait3A_142 = tpu.memref_squeeze %dma_wait3A_141 : memref<1x128x128xf32, #tpu.memory_space<vmem>> -> memref<128x128xf32, #tpu.memory_space<vmem>>
    %dma_wait3A_143 = arith.constant 0 : i32
    %dma_wait3A_144 = tpu.memref_slice %arg4[%dma_wait3A_138, %mul3A_2, %dma_wait3A_143] : memref<50x4096x128xf32, #tpu.memory_space<hbm>> -> memref<1x128x128xf32, #tpu.memory_space<hbm>>
    %dma_wait3A_145 = tpu.memref_squeeze %dma_wait3A_144 : memref<1x128x128xf32, #tpu.memory_space<hbm>> -> memref<128x128xf32, #tpu.memory_space<hbm>>
    %dma_wait3A_146 = arith.constant 0 : i32
    %dma_wait3A_147 = tpu.memref_slice %arg4[%dma_wait3A_138, %mul3A_2, %dma_wait3A_146] : memref<50x4096x128xf32, #tpu.memory_space<hbm>> -> memref<1x128x128xf32, #tpu.memory_space<hbm>>
    %dma_wait3A_148 = tpu.memref_squeeze %dma_wait3A_147 : memref<1x128x128xf32, #tpu.memory_space<hbm>> -> memref<128x128xf32, #tpu.memory_space<hbm>>
    %dma_wait3A_149 = arith.constant 0 : i32
    %dma_wait3A_150 = arith.constant 0 : i32
    %dma_wait3A_151 = tpu.memref_slice %arg6[%dma_wait3A_137, %dma_wait3A_149, %dma_wait3A_150] : memref<7x128x128xf32, #tpu.memory_space<vmem>> -> memref<1x128x128xf32, #tpu.memory_space<vmem>>
    %dma_wait3A_152 = tpu.memref_squeeze %dma_wait3A_151 : memref<1x128x128xf32, #tpu.memory_space<vmem>> -> memref<128x128xf32, #tpu.memory_space<vmem>>
    tpu.wait_dma2 semaphore(%arg9 : memref<!tpu.dma_semaphore, #tpu.memory_space<semaphore_mem>>) src(%dma_wait3A_152 : memref<128x128xf32, #tpu.memory_space<vmem>>) dst(%dma_wait3A_148 : memref<128x128xf32, #tpu.memory_space<hbm>>)
    %dma_wait3A_153 = arith.constant 4 : i32
    %dma_wait3A_154 = arith.constant 46 : i32
    %dma_wait3A_155 = arith.constant 0 : i32
    %dma_wait3A_156 = arith.constant 0 : i32
    %dma_wait3A_157 = tpu.memref_slice %arg6[%dma_wait3A_153, %dma_wait3A_155, %dma_wait3A_156] : memref<7x128x128xf32, #tpu.memory_space<vmem>> -> memref<1x128x128xf32, #tpu.memory_space<vmem>>
    %dma_wait3A_158 = tpu.memref_squeeze %dma_wait3A_157 : memref<1x128x128xf32, #tpu.memory_space<vmem>> -> memref<128x128xf32, #tpu.memory_space<vmem>>
    %dma_wait3A_159 = arith.constant 0 : i32
    %dma_wait3A_160 = tpu.memref_slice %arg4[%dma_wait3A_154, %mul3A_2, %dma_wait3A_159] : memref<50x4096x128xf32, #tpu.memory_space<hbm>> -> memref<1x128x128xf32, #tpu.memory_space<hbm>>
    %dma_wait3A_161 = tpu.memref_squeeze %dma_wait3A_160 : memref<1x128x128xf32, #tpu.memory_space<hbm>> -> memref<128x128xf32, #tpu.memory_space<hbm>>
    %dma_wait3A_162 = arith.constant 0 : i32
    %dma_wait3A_163 = tpu.memref_slice %arg4[%dma_wait3A_154, %mul3A_2, %dma_wait3A_162] : memref<50x4096x128xf32, #tpu.memory_space<hbm>> -> memref<1x128x128xf32, #tpu.memory_space<hbm>>
    %dma_wait3A_164 = tpu.memref_squeeze %dma_wait3A_163 : memref<1x128x128xf32, #tpu.memory_space<hbm>> -> memref<128x128xf32, #tpu.memory_space<hbm>>
    %dma_wait3A_165 = arith.constant 0 : i32
    %dma_wait3A_166 = arith.constant 0 : i32
    %dma_wait3A_167 = tpu.memref_slice %arg6[%dma_wait3A_153, %dma_wait3A_165, %dma_wait3A_166] : memref<7x128x128xf32, #tpu.memory_space<vmem>> -> memref<1x128x128xf32, #tpu.memory_space<vmem>>
    %dma_wait3A_168 = tpu.memref_squeeze %dma_wait3A_167 : memref<1x128x128xf32, #tpu.memory_space<vmem>> -> memref<128x128xf32, #tpu.memory_space<vmem>>
    tpu.wait_dma2 semaphore(%arg9 : memref<!tpu.dma_semaphore, #tpu.memory_space<semaphore_mem>>) src(%dma_wait3A_168 : memref<128x128xf32, #tpu.memory_space<vmem>>) dst(%dma_wait3A_164 : memref<128x128xf32, #tpu.memory_space<hbm>>)
    %dma_wait3A_169 = arith.constant 5 : i32
    %dma_wait3A_170 = arith.constant 47 : i32
    %dma_wait3A_171 = arith.constant 0 : i32
    %dma_wait3A_172 = arith.constant 0 : i32
    %dma_wait3A_173 = tpu.memref_slice %arg6[%dma_wait3A_169, %dma_wait3A_171, %dma_wait3A_172] : memref<7x128x128xf32, #tpu.memory_space<vmem>> -> memref<1x128x128xf32, #tpu.memory_space<vmem>>
    %dma_wait3A_174 = tpu.memref_squeeze %dma_wait3A_173 : memref<1x128x128xf32, #tpu.memory_space<vmem>> -> memref<128x128xf32, #tpu.memory_space<vmem>>
    %dma_wait3A_175 = arith.constant 0 : i32
    %dma_wait3A_176 = tpu.memref_slice %arg4[%dma_wait3A_170, %mul3A_2, %dma_wait3A_175] : memref<50x4096x128xf32, #tpu.memory_space<hbm>> -> memref<1x128x128xf32, #tpu.memory_space<hbm>>
    %dma_wait3A_177 = tpu.memref_squeeze %dma_wait3A_176 : memref<1x128x128xf32, #tpu.memory_space<hbm>> -> memref<128x128xf32, #tpu.memory_space<hbm>>
    %dma_wait3A_178 = arith.constant 0 : i32
    %dma_wait3A_179 = tpu.memref_slice %arg4[%dma_wait3A_170, %mul3A_2, %dma_wait3A_178] : memref<50x4096x128xf32, #tpu.memory_space<hbm>> -> memref<1x128x128xf32, #tpu.memory_space<hbm>>
    %dma_wait3A_180 = tpu.memref_squeeze %dma_wait3A_179 : memref<1x128x128xf32, #tpu.memory_space<hbm>> -> memref<128x128xf32, #tpu.memory_space<hbm>>
    %dma_wait3A_181 = arith.constant 0 : i32
    %dma_wait3A_182 = arith.constant 0 : i32
    %dma_wait3A_183 = tpu.memref_slice %arg6[%dma_wait3A_169, %dma_wait3A_181, %dma_wait3A_182] : memref<7x128x128xf32, #tpu.memory_space<vmem>> -> memref<1x128x128xf32, #tpu.memory_space<vmem>>
    %dma_wait3A_184 = tpu.memref_squeeze %dma_wait3A_183 : memref<1x128x128xf32, #tpu.memory_space<vmem>> -> memref<128x128xf32, #tpu.memory_space<vmem>>
    tpu.wait_dma2 semaphore(%arg9 : memref<!tpu.dma_semaphore, #tpu.memory_space<semaphore_mem>>) src(%dma_wait3A_184 : memref<128x128xf32, #tpu.memory_space<vmem>>) dst(%dma_wait3A_180 : memref<128x128xf32, #tpu.memory_space<hbm>>)
    %dma_wait3A_185 = arith.constant 6 : i32
    %dma_wait3A_186 = arith.constant 48 : i32
    %dma_wait3A_187 = arith.constant 0 : i32
    %dma_wait3A_188 = arith.constant 0 : i32
    %dma_wait3A_189 = tpu.memref_slice %arg6[%dma_wait3A_185, %dma_wait3A_187, %dma_wait3A_188] : memref<7x128x128xf32, #tpu.memory_space<vmem>> -> memref<1x128x128xf32, #tpu.memory_space<vmem>>
    %dma_wait3A_190 = tpu.memref_squeeze %dma_wait3A_189 : memref<1x128x128xf32, #tpu.memory_space<vmem>> -> memref<128x128xf32, #tpu.memory_space<vmem>>
    %dma_wait3A_191 = arith.constant 0 : i32
    %dma_wait3A_192 = tpu.memref_slice %arg4[%dma_wait3A_186, %mul3A_2, %dma_wait3A_191] : memref<50x4096x128xf32, #tpu.memory_space<hbm>> -> memref<1x128x128xf32, #tpu.memory_space<hbm>>
    %dma_wait3A_193 = tpu.memref_squeeze %dma_wait3A_192 : memref<1x128x128xf32, #tpu.memory_space<hbm>> -> memref<128x128xf32, #tpu.memory_space<hbm>>
    %dma_wait3A_194 = arith.constant 0 : i32
    %dma_wait3A_195 = tpu.memref_slice %arg4[%dma_wait3A_186, %mul3A_2, %dma_wait3A_194] : memref<50x4096x128xf32, #tpu.memory_space<hbm>> -> memref<1x128x128xf32, #tpu.memory_space<hbm>>
    %dma_wait3A_196 = tpu.memref_squeeze %dma_wait3A_195 : memref<1x128x128xf32, #tpu.memory_space<hbm>> -> memref<128x128xf32, #tpu.memory_space<hbm>>
    %dma_wait3A_197 = arith.constant 0 : i32
    %dma_wait3A_198 = arith.constant 0 : i32
    %dma_wait3A_199 = tpu.memref_slice %arg6[%dma_wait3A_185, %dma_wait3A_197, %dma_wait3A_198] : memref<7x128x128xf32, #tpu.memory_space<vmem>> -> memref<1x128x128xf32, #tpu.memory_space<vmem>>
    %dma_wait3A_200 = tpu.memref_squeeze %dma_wait3A_199 : memref<1x128x128xf32, #tpu.memory_space<vmem>> -> memref<128x128xf32, #tpu.memory_space<vmem>>
    tpu.wait_dma2 semaphore(%arg9 : memref<!tpu.dma_semaphore, #tpu.memory_space<semaphore_mem>>) src(%dma_wait3A_200 : memref<128x128xf32, #tpu.memory_space<vmem>>) dst(%dma_wait3A_196 : memref<128x128xf32, #tpu.memory_space<hbm>>)
    %dma_wait3A_201 = arith.constant 0 : i32
    %dma_wait3A_202 = arith.constant 49 : i32
    %dma_wait3A_203 = arith.constant 0 : i32
    %dma_wait3A_204 = arith.constant 0 : i32
    %dma_wait3A_205 = tpu.memref_slice %arg6[%dma_wait3A_201, %dma_wait3A_203, %dma_wait3A_204] : memref<7x128x128xf32, #tpu.memory_space<vmem>> -> memref<1x128x128xf32, #tpu.memory_space<vmem>>
    %dma_wait3A_206 = tpu.memref_squeeze %dma_wait3A_205 : memref<1x128x128xf32, #tpu.memory_space<vmem>> -> memref<128x128xf32, #tpu.memory_space<vmem>>
    %dma_wait3A_207 = arith.constant 0 : i32
    %dma_wait3A_208 = tpu.memref_slice %arg4[%dma_wait3A_202, %mul3A_2, %dma_wait3A_207] : memref<50x4096x128xf32, #tpu.memory_space<hbm>> -> memref<1x128x128xf32, #tpu.memory_space<hbm>>
    %dma_wait3A_209 = tpu.memref_squeeze %dma_wait3A_208 : memref<1x128x128xf32, #tpu.memory_space<hbm>> -> memref<128x128xf32, #tpu.memory_space<hbm>>
    %dma_wait3A_210 = arith.constant 0 : i32
    %dma_wait3A_211 = tpu.memref_slice %arg4[%dma_wait3A_202, %mul3A_2, %dma_wait3A_210] : memref<50x4096x128xf32, #tpu.memory_space<hbm>> -> memref<1x128x128xf32, #tpu.memory_space<hbm>>
    %dma_wait3A_212 = tpu.memref_squeeze %dma_wait3A_211 : memref<1x128x128xf32, #tpu.memory_space<hbm>> -> memref<128x128xf32, #tpu.memory_space<hbm>>
    %dma_wait3A_213 = arith.constant 0 : i32
    %dma_wait3A_214 = arith.constant 0 : i32
    %dma_wait3A_215 = tpu.memref_slice %arg6[%dma_wait3A_201, %dma_wait3A_213, %dma_wait3A_214] : memref<7x128x128xf32, #tpu.memory_space<vmem>> -> memref<1x128x128xf32, #tpu.memory_space<vmem>>
    %dma_wait3A_216 = tpu.memref_squeeze %dma_wait3A_215 : memref<1x128x128xf32, #tpu.memory_space<vmem>> -> memref<128x128xf32, #tpu.memory_space<vmem>>
    tpu.wait_dma2 semaphore(%arg9 : memref<!tpu.dma_semaphore, #tpu.memory_space<semaphore_mem>>) src(%dma_wait3A_216 : memref<128x128xf32, #tpu.memory_space<vmem>>) dst(%dma_wait3A_212 : memref<128x128xf32, #tpu.memory_space<hbm>>)
    return
  }
}

</mosaic_0001>

<sc_bundles>
// kernel: kernel.3.cloned.1.call-start
scs
__scs_entry_jumppad:
0x0: {  	(pc) =	sbr.rel $0x88, $3  }
0x1: {  	(tag) =	ssettag $0x0;
	lr =	simm.s32 $0x1  }
0x2: {  	[smem:$0x3F9F] =	sst lr;
	_ =	strace $0xD0000000  }
0x3: {  	_ = 	snop  }
0x4: {  	_ = 	snop  }
0x5: {  	_ = 	snop  }
0x6: {  	_ = 	snop  }
0x7: {  	_ = 	snop  }
__scs_overlays_trampoline_lowered:
0x8: {  	[smem:$0x3FAE] =	sst s0  }
0x9: {  	[smem:$0x3FAF] =	sst s1  }
0xa: {  	[smem:$0x3FB0] =	sst s2  }
0xb: {  	[smem:$0x3FB1] =	sst s3  }
0xc: {  	[smem:$0x3FB2] =	sst s4  }
0xd: {  	[smem:$0x3FB3] =	sst s5  }
0xe: {  	[smem:$0x3FB4] =	sst s6  }
0xf: {  	[smem:$0x3FB5] =	sst s7  }
0x10: {  	[smem:$0x3FB6] =	sst s8  }
0x11: {  	[smem:$0x3FB7] =	sst s9;
	s0 =	simm.s32 @!p0 $0x0  }
0x12: {  	s1 =	sld [smem:$0x3F9D];
	s0 =	simm.s32 @p0 $0x1  }
0x13: {  	[smem:$0x3FB8] =	sst s0;
	s0 =	simm.s32 @!p1 $0x0  }
0x14: {  	s2 =	sld [smem:$0x3F9C];
	s0 =	simm.s32 @p1 $0x1  }
0x15: {  	[smem:$0x3FB9] =	sst s0;
	s0 =	simm.s32 @!p2 $0x0  }
0x16: {  	s3 =	sld [smem:$0x3FDB];
	s0 =	simm.s32 @p2 $0x1  }
0x17: {  	s4 =	simm.s32 $0x1BF5;
	[smem:$0x3FBB] =	sst s0  }
0x18: {  	s0 =	sld [smem:$0x3F9E];
	_ =	swait.ge [sflag:s4], $0x0  }
0x19: {  	s7 =	sld [smem:$0x3F9F]  }
0x1a: {  	s8 =	sadd.s32 $0xFFFFE003, lr  }
0x1b: {  	s9 =	sadd.s32 $0xFFFFFEF7, lr;
	s5 =	simm.s32 $0xFFFFFFFF;
	p2 =	slt.u32 s8, $0xFFFFF086  }
0x1c: {  	p1 =	slt.u32 s9, $0xF7A;
	s5 =	simm.s32 @!p2 $0x0  }
0x1d: {  	s5 =	simm.s32 @p1 $0x1;
	p0 =	seq.s32 s7, s2  }
0x1e: {  	s7 =	smul.u32 @!p0 $0xF7A, s2;
	p2 =	seq.s32 @!p0 s5, $0x0  }
0x1f: {  	s9 =	smul.u32 $0xF7A, s1;
	s8 =	simm.s32 @!p0 $0x1BF5;
	p2 =	por !p2, p0  }
0x20: {  	[sflag:s8] =	ssyncset.s32 @!p0 $0xFFFFF086;
	s6 =	sadd.s32 @!p0 s3, s7;
	s7 =	simm.s32 @!p0 $0x108  }
0x21: {  	s3 =	sadd.s32 s3, s9;
	s6 =	sadd.s32 @!p0 $0x88, s6;
	s7 =	simm.s32 @p2 $0x1082  }
0x22: {  	[simem:s7], [sflag:s8] =	dma.local @!p0 [hbm:s6], $0xF7A  }
0x23: {  	s9 =	sor.u32 $0xD0000000, s2;
	s6 =	simm.s32 $0x108;
	_ =	swait.ge @!p0 [sflag:s8], $0x0  }
0x24: {  	s3 =	sadd.s32 $0x88, s3;
	s6 =	simm.s32 @!p1 $0x1082;
	[sflag:s4] =	ssyncset.s32 $0xFFFFF086  }
0x25: {  	[simem:s6], [sflag:s4] =	dma.local [hbm:s3], $0xF7A  }
0x26: {  	[smem:$0x3F9F] =	sst s1;
	(tag) =	ssettag s2;
	_ =	strace s9  }
0x27: {  	s1 =	sld [smem:$0x3FAF]  }
0x28: {  	s2 =	sld [smem:$0x3FB0]  }
0x29: {  	s4 =	sld [smem:$0x3FB2]  }
0x2a: {  	p0 =	seq.s32 s5, $0x0;
	s5 =	sld [smem:$0x3FB3]  }
0x2b: {  	s6 =	sld [smem:$0x3FB4]  }
0x2c: {  	s7 =	sld [smem:$0x3FB5]  }
0x2d: {  	s3 =	simm.s32 $0x108;
	s8 =	sld [smem:$0x3FB6]  }
0x2e: {  	s3 =	simm.s32 @!p0 $0x1082;
	s9 =	sld [smem:$0x3FB7]  }
0x2f: {  	lr =	sadd.s32 s0, s3;
	s0 =	sld [smem:$0x3FAE]  }
0x30: {  	s3 =	sld [smem:$0x3FB1]  }
0x31: {  	[smem:$0x3FBA] =	sst s10  }
0x32: {  	s10 =	sld [smem:$0x3FB8];
	_ =	sdelay $0x3  }
0x33: {  	p0 =	seq.s32 s10, $0x1;
	s10 =	sld [smem:$0x3FBA];
	_ =	sdelay $0x3  }
0x34: {  	[smem:$0x3FBA] =	sst s10  }
0x35: {  	s10 =	sld [smem:$0x3FB9];
	_ =	sdelay $0x3  }
0x36: {  	p1 =	seq.s32 s10, $0x1;
	s10 =	sld [smem:$0x3FBA];
	_ =	sdelay $0x3  }
0x37: {  	[smem:$0x3FBA] =	sst s10  }
0x38: {  	s10 =	sld [smem:$0x3FBB]  }
0x39: {  	_ = 	snop;
	(pc) =	sbr.ind lr, $3  }
0x3a: {  	_ = 	snop  }
0x3b: {  	_ = 	snop  }
0x3c: {  	p2 =	seq.s32 s10, $0x1;
	s10 =	sld [smem:$0x3FBA]  }
0x3d: {  	_ =	shalt  }
0x3e: {  	_ =	shalt  }
0x3f: {  	_ =	shalt  }
0x40: {  	_ =	shalt  }
0x41: {  	_ =	shalt  }
0x42: {  	_ =	shalt  }
0x43: {  	_ =	shalt  }
0x44: {  	_ =	shalt  }
0x45: {  	_ =	shalt  }
0x46: {  	_ =	shalt  }
0x47: {  	_ =	shalt  }
0x48: {  	_ =	shalt  }
0x49: {  	_ =	shalt  }
0x4a: {  	_ =	shalt  }
0x4b: {  	_ =	shalt  }
0x4c: {  	_ =	shalt  }
0x4d: {  	_ =	shalt  }
0x4e: {  	_ =	shalt  }
0x4f: {  	_ =	shalt  }
0x50: {  	_ =	shalt  }
0x51: {  	_ =	shalt  }
0x52: {  	_ =	shalt  }
0x53: {  	_ =	shalt  }
0x54: {  	_ =	shalt  }
0x55: {  	_ =	shalt  }
0x56: {  	_ =	shalt  }
0x57: {  	_ =	shalt  }
0x58: {  	_ =	shalt  }
0x59: {  	_ =	shalt  }
0x5a: {  	_ =	shalt  }
0x5b: {  	_ =	shalt  }
0x5c: {  	_ =	shalt  }
0x5d: {  	_ =	shalt  }
0x5e: {  	_ =	shalt  }
0x5f: {  	_ =	shalt  }
0x60: {  	_ =	shalt  }
0x61: {  	_ =	shalt  }
0x62: {  	_ =	shalt  }
0x63: {  	_ =	shalt  }
0x64: {  	_ =	shalt  }
0x65: {  	_ =	shalt  }
0x66: {  	_ =	shalt  }
0x67: {  	_ =	shalt  }
0x68: {  	_ =	shalt  }
0x69: {  	_ =	shalt  }
0x6a: {  	_ =	shalt  }
0x6b: {  	_ =	shalt  }
0x6c: {  	_ =	shalt  }
0x6d: {  	_ =	shalt  }
0x6e: {  	_ =	shalt  }
0x6f: {  	_ =	shalt  }
0x70: {  	_ =	shalt  }
0x71: {  	_ =	shalt  }
0x72: {  	_ =	shalt  }
0x73: {  	_ =	shalt  }
0x74: {  	_ =	shalt  }
0x75: {  	_ =	shalt  }
0x76: {  	_ =	shalt  }
0x77: {  	_ =	shalt  }
0x78: {  	_ =	shalt  }
0x79: {  	_ =	shalt  }
0x7a: {  	_ =	shalt  }
0x7b: {  	_ =	shalt  }
0x7c: {  	_ =	shalt  }
0x7d: {  	_ =	shalt  }
0x7e: {  	_ =	shalt  }
0x7f: {  	_ =	shalt  }
0x80: {  	_ =	shalt  }
0x81: {  	_ =	shalt  }
0x82: {  	_ =	shalt  }
0x83: {  	_ =	shalt  }
0x84: {  	_ =	shalt  }
0x85: {  	_ =	shalt  }
0x86: {  	_ =	shalt  }
0x87: {  	_ =	shalt  }
.Lfunc_end0:
.L_simem_size_0:
called_computation_lowered:
.L_overlay_start_0:
0x88: {  	s2 =	sld [smem:$0x3FD9]  }
0x89: {  	s3 =	sld [smem:$0x3FFE];
	_ =	sdelay $0x1  }
0x8a: {  	s1 =	srdreg.scid  }
0x8b: {  	s0 =	sand.u32 $0x1, s1  }
0x8c: {  	s18 =	sshll.u32 s0, $0xA;
	s2 =	sadd.s32 s3, s2  }
0x8d: {  	s2 =	sadd.s32 s2, s18  }
0x8e: {  	[smem:$0x3FC6] =	sst s2  }
0x8f: {  	_ = 	snop  }
0x90: {  	s2 =	sld [smem:$0x3FC9]  }
0x91: {  	s19 =	sld [smem:$0x3FC8]  }
0x92: {  	s4 =	sld [smem:$0x3FD0];
	(tm) =	ssettm $0x1  }
0x93: {  	s5 =	sld [smem:$0x3FFB];
	_ =	sdelay $0x3  }
0x94: {  	_ =	strace s5  }
0x95: {  	s5 =	sld [smem:$0x3FFC];
	_ =	sdelay $0x3  }
0x96: {  	_ =	strace s5  }
0x97: {  	s5 =	sld [smem:$0x3FFD];
	_ =	sdelay $0x3  }
0x98: {  	_ =	strace s5  }
0x99: {  	_ =	strace $0x8FFFFFFF  }
0x9a: {  	s20 =	sld [smem:$0x3FDB];
	_ =	sdelay $0x1  }
0x9b: {  	s6 =	simm.s32 $_scs_section_size  }
0x9c: {  	s7 =	simm.s32 $_size__tile_overlayer_lowered;
	s8 =	simm.s32 $_tile_overlayer_lowered  }
0x9d: {  	s23 =	simm.s32 $0x1BFF;
	s22 =	sshll.u32 s8, $0x1;
	s5 =	sadd.s32 s6, s20  }
0x9e: {  	s9 =	simm.s32 $0x0;
	s21 =	sshll.u32 s7, $0x1;
	s7 =	sadd.s32 s22, s5  }
0x9f: {  	[timem:s9], [sflag:s23] =	dma.local [hbm:s7], s21  }
0xa0: {  	_ =	swait.ge [sflag:s23], s21  }
0xa1: {  	s6 =	ssub.s32 $0x0, s21;
	[sflag:s23] =	ssyncset.done $0x0  }
0xa2: {  	[sflag:s23] =	ssyncadd.s32 s6;
	_ =	sdelay $0x1  }
0xa3: {  	s24 =	simm.s32 $0x1B8B  }
0xa4: {  	_ =	swait.ge [sflag:s24], $0x1  }
0xa5: {  	[sflag:s24] =	ssyncset.done $0x0  }
0xa6: {  	s25 =	simm.s32 $0x1B8E;
	[sflag:s24] =	ssyncadd.s32 $0xFFFFFFFF  }
0xa7: {  	s26 =	simm.s32 $execute0_lowered;
	[smem:$0x3FD2] =	sst s25  }
0xa8: {  	s6 =	sshll.u32 s26, $0x1;
	_ =	strace $0x80000046;
	[dreg:$0x1] =	wrdreg $0xFFFFFFFF  }
0xa9: {  	s28 =	simm.s32 $_size_execute0_lowered;
	s5 =	sadd.s32 s5, s6;
	[dreg:$0x0] =	wrdreg $0x0  }
0xaa: {  	s6 =	sshll.u32 s28, $0x1;
	[dreg:$0x2] =	wrdreg s5  }
0xab: {  	[dreg:$0x3] =	wrdreg s6  }
0xac: {  	[dreg:$0x4] =	wrdreg $0xC0  }
0xad: {  	_ =	task [dreg:s9], $0x5FFFF  }
0xae: {  	[dreg:$0x1] =	wrdreg $0xFFFFFFFF  }
0xaf: {  	[dreg:$0x0] =	wrdreg $0x60  }
0xb0: {  	[dreg:$0x2] =	wrdreg s2  }
0xb1: {  	[dreg:$0x3] =	wrdreg s19  }
0xb2: {  	[dreg:$0x4] =	wrdreg s4  }
0xb3: {  	[dreg:$0x5] =	wrdreg $0x9  }
0xb4: {  	_ =	task.clear_ibuf [dreg:s9], $0x6FFFF;
	_ =	strace $0x90000046  }
0xb5: {  	s29 =	simm.s32 $0x9;
	_ =	strace $0x80000048  }
0xb6: {  	_ =	swait.ge [sflag:s29], $0x1  }
0xb7: {  	[sflag:s29] =	ssyncadd.s32 $0xFFFFFFFF  }
0xb8: {  	_ =	strace $0x90000048  }
0xb9: {  	_ =	sfence  }
0xba: {  	s30 =	sld [smem:$0x0];
	_ =	sdelay $0x2  }
0xbb: {  	s31 =	sshll.u32 s1, $0xD;
	s1 =	sshrl.u32 s1, $0x2  }
0xbc: {  	s3 =	sand.u32 $0x4000, s31;
	s1 =	sadd.s32 s1, s30  }
0xbd: {  	s0 =	sor.u32 s3, s0;
	s1 =	sshll.u32 s1, $0x11  }
0xbe: {  	s0 =	sor.u32 s1, s0  }
0xbf: {  	s0 =	sadd.s32 $0x8F2B, s0  }
0xc0: {  	[sflag:s0] =	ssyncadd.remote.s32 $0x1  }
0xc1: {  	_ =	sfence.sel $0xFFFF  }
0xc2: {  	[dreg:$0x0] =	wrdreg $0xFFFFFFFF;
	(pc) =	sbr.abs _section_cstart, $3  }
0xc3: {  	[dreg:$0x1] =	wrdreg $0xFFFFFFFF  }
0xc4: {  	_ =	task.clear_ibuf [dreg:s9], $0x2FFFF;
	_ =	strace $0x9FFFFFFF  }
0xc5: {  	(tm) =	ssettm $0x7FFFFFFF  }
tec
execute0_lowered:
.L_overlay_start_1:
0x0: {  	(tag) =	ssettag $0x1  }
0x1: {  	s1 =	rddreg [dreg:$0x0]  }
0x2: {  	s0 =	rddreg [dreg:$0x1]  }
0x3: {  	s2 =	rddreg [dreg:$0x2];
	s3 =	simm.s32 $0x0;
	s4 =	srdreg.scid  }
0x4: {  	s9 =	stileid.u32;
	s11 =	simm.s32 $0x5C00;
	s12 =	simm.s32 $0x100  }
0x5: {  	s13 =	simm.s32 $0x9C00;
	s14 =	simm.s32 $0x180;
	s15 =	simm.s32 $0xDC00  }
0x6: {  	s16 =	simm.s32 $0x200;
	s17 =	simm.s32 $0x11C00;
	s18 =	simm.s32 $0x280  }
0x7: {  	s19 =	simm.s32 $0x15C00;
	s20 =	simm.s32 $0x8000;
	s21 =	simm.s32 $0x400  }
0x8: {  	s23 =	simm.s32 $0x1800;
	s24 =	simm.s32 $0x3;
	s25 =	simm.s32 $0x4  }
0x9: {  	s26 =	simm.s32 $0x0;
	[smem:$0x7FF] =	sst s3;
	s6 =	sand.u32 $0x1, s4  }
0xa: {  	s5 =	sshll.u32 s9, $0x8;
	s30 =	sshll.u32 s9, $0xC;
	s9 =	simm.s32 $0x80  }
.Ltmp0:
0xb: {  	s4 =	ssub.s32 $0x2, s6;
	s7 =	sshll.u32 s6, $0x7;
	(pc) =	sbr.rel .LBB2_1-.Ltmp0, $4  }
0xc: {  	_ =	strace $0x80000047;
	s8 =	sshrl.u32 s4, $0x1;
	s5 =	sor.u32 s7, s5  }
0xd: {  	s31 =	sshll.u32 s6, $0xB;
	s29 =	ssub.s32 s4, s8;
	s4 =	sadd.s32 s0, s5  }
0xe: {  	s0 =	sadd.s32 s30, s2;
	s8 =	simm.s32 $0x5;
	s5 =	sadd.s32 $0x1000, s4  }
0xf: {  	s6 =	smax.u32 s29, $0x1;
	s7 =	sadd.s32 s31, s0;
	s22 =	sadd.s32 $0x5000, s5  }
.LBB2_9:
0x10: {  	_ =	swait.ge [sflag:s25], $0x4000  }
0x11: {  	[sflag:s25] =	ssyncset.done $0x0  }
0x12: {  	[sflag:s25] =	ssyncadd.s32 $0xFFFFC000  }
0x13: {  	_ =	swait.ge [sflag:s25], $0x4000  }
0x14: {  	[sflag:s25] =	ssyncset.done $0x0  }
0x15: {  	[sflag:s25] =	ssyncadd.s32 $0xFFFFC000  }
0x16: {  	_ =	swait.ge [sflag:s25], $0x4000  }
0x17: {  	[sflag:s25] =	ssyncset.done $0x0  }
0x18: {  	[sflag:s25] =	ssyncadd.s32 $0xFFFFC000  }
0x19: {  	_ =	swait.ge [sflag:s25], $0x4000  }
0x1a: {  	[sflag:s25] =	ssyncset.done $0x0  }
0x1b: {  	[sflag:s25] =	ssyncadd.s32 $0xFFFFC000  }
0x1c: {  	_ =	swait.ge [sflag:s25], $0x4000  }
0x1d: {  	[sflag:s25] =	ssyncset.done $0x0  }
0x1e: {  	s26 =	sadd.s32 $0x1, s26;
	[sflag:s25] =	ssyncadd.s32 $0xFFFFC000  }
0x1f: {  	p0 =	sne.s32 s26, s6;
	_ =	swait.ge [sflag:s25], $0x4000  }
.Ltmp1:
0x20: {  	[sflag:s25] =	ssyncset.done $0x0;
	(pc) =	sbr.rel @!p0 .LBB2_10-.Ltmp1, $4  }
0x21: {  	[sflag:s25] =	ssyncadd.s32 $0xFFFFC000  }
0x22: {  	_ =	swait.ge [sflag:s25], $0x4000  }
0x23: {  	[sflag:s25] =	ssyncset.done $0x0  }
0x24: {  	[sflag:s25] =	ssyncadd.s32 $0xFFFFC000  }
.LBB2_1:
0x25: {  	[tilespmem:s3], [sflag:$0x5] =	stream.linear.gather [hbm4b:s4+s3], $0x400, $0x38;
	[tilespmem:$0x1DC00] =	vst v63  }
0x26: {  	_ =	swait.ge [sflag:s8], $0x400  }
0x27: {  	[sflag:s8] =	ssyncset.done $0x0  }
0x28: {  	s0 =	simm.s32 $0x1C00;
	[sflag:s8] =	ssyncadd.s32 $0xFFFFFC00  }
0x29: {  	[tilespmem:s0], [sflag:$0x1] =	stream.indirect.gather [hbm4b:s1+s9], $0x80, s3, s9, $0xb8;
	[tilespmem:$0x1DC00] =	vst v63  }
0x2a: {  	_ = 	snop  }
0x2b: {  	[tilespmem:s11], [sflag:$0x2] =	stream.indirect.gather [hbm4b:s1+s9], $0x80, s9, s9, $0xb8;
	[tilespmem:$0x1DC00] =	vst v63  }
0x2c: {  	_ = 	snop  }
0x2d: {  	[tilespmem:s13], [sflag:$0x1] =	stream.indirect.gather [hbm4b:s1+s9], $0x80, s12, s9, $0xb8;
	[tilespmem:$0x1DC00] =	vst v63  }
0x2e: {  	_ = 	snop  }
0x2f: {  	[tilespmem:s15], [sflag:$0x2] =	stream.indirect.gather [hbm4b:s1+s9], $0x80, s14, s9, $0xb8;
	[tilespmem:$0x1DC00] =	vst v63  }
0x30: {  	_ = 	snop  }
0x31: {  	[tilespmem:s17], [sflag:$0x1] =	stream.indirect.gather [hbm4b:s1+s9], $0x80, s16, s9, $0xb8;
	[tilespmem:$0x1DC00] =	vst v63  }
0x32: {  	_ = 	snop  }
0x33: {  	[tilespmem:s19], [sflag:$0x2] =	stream.indirect.gather [hbm4b:s1+s9], $0x80, s18, s9, $0xb8;
	[tilespmem:$0x1DC00] =	vst v63  }
.Ltmp2:
0x34: {  	_ = 	snop;
	(pc) =	sbr.rel .LBB2_2-.Ltmp2, $4  }
0x35: {  	_ = 	snop  }
0x36: {  	[tilespmem:s21], [sflag:$0x3] =	stream.strided.gather [hbm4b:s5+s21], $0x1400, s20, s21, $0x38;
	[tilespmem:$0x1DC00] =	vst v63  }
0x37: {  	s28 =	simm.s32 $0xC00;
	s29 =	smov.u32 s7;
	s30 =	simm.s32 $0x0  }
0x38: {  	[tilespmem:s23], [sflag:$0x3] =	stream.linear.gather [hbm4b:s22+s3], $0x100, $0x38;
	[tilespmem:$0x1DC00] =	vst v63  }
.LBB2_3:
0x39: {  	_ =	swait.ge [sflag:s24], $0x1500  }
0x3a: {  	[sflag:s24] =	ssyncset.done $0x0  }
0x3b: {  	s2 =	simm.s32 $0x60000;
	s0 =	simm.s32 $0xC00;
	[sflag:s24] =	ssyncadd.s32 $0xFFFFEB00  }
.LBB2_7:
0x3c: {  	s31 =	sand.u32 $0x1, s30;
	s2 =	sshrl.u32 s2, $0x2  }
0x3d: {  	s0 =	sshra.s32 s0, $0x2;
	s2 =	sadd.s32 $0x1C00, s2;
	s10 =	sadd.s32 $0x1, s31  }
0x3e: {  	[tilespmem:s2], [sflag:s10] =	stream.indirect.gather [hbm4b:s1+s9], $0x80, s0, s9, $0xb8;
	[tilespmem:$0x1DC00] =	vst v63  }
.LBB2_8:
0x3f: {  	s0 =	smul.u32 $0x25, s30;
	_ =	sdelay $0x1  }
0x40: {  	s0 =	sshrl.u32 s0, $0x8  }
0x41: {  	s2 =	ssub.s32 s30, s0  }
0x42: {  	s2 =	sand.u32 $0xFE, s2  }
0x43: {  	s2 =	sshrl.u32 s2, $0x1  }
0x44: {  	s0 =	sadd.s32 s0, s2  }
0x45: {  	s0 =	sand.u32 $0xFC, s0  }
0x46: {  	s0 =	sshrl.u32 s0, $0x2  }
0x47: {  	s0 =	smul.u32 $0x7, s0;
	_ =	sdelay $0x1  }
0x48: {  	s0 =	ssub.s32 s30, s0;
	s30 =	sadd.s32 $0x1, s30  }
0x49: {  	s31 =	sadd.s32 $0x1, s31;
	p0 =	sne.s32 s30, $0x32  }
.Ltmp3:
0x4a: {  	_ =	swait.ge [sflag:s31], $0x4000;
	s0 =	sand.u32 $0xFF, s0;
	(pc) =	sbr.rel @!p0 .LBB2_9-.Ltmp3, $4  }
0x4b: {  	[sflag:s31] =	ssyncset.done $0x0;
	s0 =	sshll.u32 s0, $0xE  }
0x4c: {  	[sflag:s31] =	ssyncadd.s32 $0xFFFFC000;
	s0 =	sor.u32 $0x1C00, s0  }
0x4d: {  	[hbm4b:s29+s3] =	stream.linear.scatter [tilespmem:s0], [sflag:$0x4], $0x4000, $0x38;
	[tilespmem:$0x1DC00] =	vst v63  }
0x4e: {  	s28 =	sadd.s32 $0x200, s28;
	s29 =	sadd.s32 $0x10000, s29  }
.LBB2_2:
0x4f: {  	p0 =	sne.s32 s30, $0x0  }
.Ltmp4:
0x50: {  	_ = 	snop;
	(pc) =	sbr.rel @!p0 .LBB2_3-.Ltmp4, $1  }
0x51: {  	_ =	sdelay $0x3  }
0x52: {  	p0 =	slt.u32 s30, $0x2C  }
.Ltmp5:
0x53: {  	_ = 	snop;
	(pc) =	sbr.rel @!p0 .LBB2_5-.Ltmp5, $1  }
0x54: {  	_ =	sdelay $0x3  }
0x55: {  	s0 =	sadd.s32 $0x6, s30  }
0x56: {  	s2 =	smul.u32 $0x25, s0;
	_ =	sdelay $0x1  }
0x57: {  	s2 =	sshrl.u32 s2, $0x8  }
0x58: {  	s31 =	ssub.s32 s0, s2  }
0x59: {  	s31 =	sand.u32 $0xFE, s31  }
0x5a: {  	s31 =	sshrl.u32 s31, $0x1  }
0x5b: {  	s2 =	sadd.s32 s2, s31  }
0x5c: {  	s2 =	sand.u32 $0xFC, s2  }
0x5d: {  	s2 =	sshrl.u32 s2, $0x2  }
0x5e: {  	s2 =	smul.u32 $0x7, s2  }
.Ltmp6:
0x5f: {  	_ = 	snop;
	(pc) =	sbr.rel .LBB2_7-.Ltmp6, $4  }
0x60: {  	_ = 	snop  }
0x61: {  	_ =	swait.ge [sflag:s25], $0x4000;
	s0 =	ssub.s32 s0, s2  }
0x62: {  	[sflag:s25] =	ssyncset.done $0x0;
	s0 =	sand.u32 $0xFF, s0  }
0x63: {  	[sflag:s25] =	ssyncadd.s32 $0xFFFFC000;
	s2 =	sshll.u32 s0, $0x10;
	s0 =	smov.u32 s28  }
.LBB2_5:
.Ltmp7:
0x64: {  	(pc) =	sbr.rel .LBB2_8-.Ltmp7, $2  }
0x65: {  	_ =	sdelay $0x2  }
0x66: {  	s31 =	sand.u32 $0x1, s30  }
.LBB2_10:
0x67: {  	_ =	sfence.sel $0x180000  }
0x68: {  	[bflag:$0x0] =	sbarrier.arrive $0xFFFF  }
0x69: {  	_ =	strace $0x90000047  }
0x6a: {  	s0 =	stileid.u32;
	[bflag:$0x2] =	sbarrier.arrive $0xFFFF  }
0x6b: {  	p0 =	sne.s32 s0, $0x0;
	s0 =	rddreg [dreg:$0x3]  }
0x6c: {  	s0 =	sadd.s32 @!p0 $0x100000, s0  }
0x6d: {  	[sflag:s0] =	ssyncadd.tile.s32 @!p0 $0x1;
	_ =	shalt  }
.Lfunc_end2:
_tile_overlayer_lowered:
.L_overlay_start_2:
0x6e: {  	(tag) =	ssettag $0x2  }
0x6f: {  	s0 =	rddreg [dreg:$0x0];
	s2 =	stileid.u32  }
0x70: {  	s1 =	rddreg [dreg:$0x1];
	p0 =	sne.s32 s2, $0x0  }
0x71: {  	s3 =	rddreg [dreg:$0x2];
	[bflag:$0x3] =	sbarrier.arrive $0xFFFF;
	s2 =	simm.s32 @!p0 $0x1C05  }
0x72: {  	[timem:s3], [sflag:s2] =	dma.local @!p0 [hbm:s0], s1  }
0x73: {  	s0 =	simm.s32 @!p0 $0x5  }
0x74: {  	_ =	swait.ge @!p0 [sflag:s0], s1  }
0x75: {  	s1 =	ssub.s32 @!p0 $0x0, s1;
	[sflag:s0] =	ssyncset.done @!p0 $0x0  }
0x76: {  	[sflag:s0] =	ssyncadd.s32 @!p0 s1  }
0x77: {  	[bflag:$0x3] =	sbarrier.arrive $0xFFFF  }
0x78: {  	_ =	shalt  }

</sc_bundles>
